<compile_context>
chip_gen: v7x
topology: tpu7x:2x2x1
jax: 0.10.2.dev20260603
libtpu: 0.0.44.dev20260713+nightly
codegen_flags: <defaults>
</compile_context>

<pallas_src>
import functools

import jax
import jax.numpy as jnp
from jax import lax
from jax.experimental import pallas as pl
from jax.experimental.pallas import tpu as pltpu
from jax.experimental.pallas import tpu_sc as plsc

_VOCAB = 100000
_SHARED = 102
_LANG = 26
_D = 128
_B, _L = 4096, 200
_N = _B * _L

_NC, _NS = 2, 16
_NW = _NC * _NS
_PER_W = _N // _NW
_SUB = 128
_C = 256
_NSUB = _C // _SUB
_CHUNKS = _PER_W // _C

_FUSE_ROWS = 10000


def _fuse_body(shared_ref, lang_ref, bias_ref, out_ref):
    out_ref[...] = (
        jnp.concatenate([shared_ref[...], lang_ref[...]], axis=-1) + bias_ref[...]
    )


def _fuse_tables(shared_table, lang_table, bias):
    return pl.pallas_call(
        _fuse_body,
        grid=(_VOCAB // _FUSE_ROWS,),
        in_specs=[
            pl.BlockSpec((_FUSE_ROWS, _SHARED), lambda i: (i, 0)),
            pl.BlockSpec((_FUSE_ROWS, _LANG), lambda i: (i, 0)),
            pl.BlockSpec((1, _D), lambda i: (0, 0)),
        ],
        out_specs=pl.BlockSpec((_FUSE_ROWS, _D), lambda i: (i, 0)),
        out_shape=jax.ShapeDtypeStruct((_VOCAB, _D), jnp.float32),
    )(shared_table, lang_table, bias)


def _gather_body(idx_hbm, table_hbm, out_hbm, idx0, idx1, rows0, rows1, g0, g1):
    wid = lax.axis_index("s") * _NC + lax.axis_index("c")
    idx_row0 = wid * (_PER_W // _SUB)
    out_row0 = wid * _PER_W

    def fire(c, idx_v, rows_v, sem):
        pltpu.sync_copy(idx_hbm.at[pl.ds(idx_row0 + c * _NSUB, _NSUB)], idx_v)
        for j in range(_NSUB):
            pltpu.async_copy(
                table_hbm.at[idx_v.at[j]], rows_v.at[pl.ds(j * _SUB, _SUB)], sem
            )

    def drain(idx_v, rows_v, sem):
        for j in range(_NSUB):
            pltpu.make_async_copy(
                table_hbm.at[idx_v.at[j]], rows_v.at[pl.ds(j * _SUB, _SUB)], sem
            ).wait()

    def write(c, rows_v):
        pltpu.sync_copy(rows_v, out_hbm.at[pl.ds(out_row0 + c * _C, _C)])

    fire(0, idx0, rows0, g0)

    def step(k, carry):
        a = 2 * k
        drain(idx0, rows0, g0)
        fire(a + 1, idx1, rows1, g1)
        write(a, rows0)
        drain(idx1, rows1, g1)
        fire(a + 2, idx0, rows0, g0)
        write(a + 1, rows1)
        return carry

    lax.fori_loop(0, _CHUNKS // 2 - 1, step, 0)

    last = _CHUNKS - 2
    drain(idx0, rows0, g0)
    fire(last + 1, idx1, rows1, g1)
    write(last, rows0)
    drain(idx1, rows1, g1)
    write(last + 1, rows1)


def _gather(idx2d, table):
    mesh = plsc.VectorSubcoreMesh(core_axis_name="c", subcore_axis_name="s")
    run = functools.partial(
        pl.kernel,
        out_type=jax.ShapeDtypeStruct((_N, _D), jnp.float32),
        mesh=mesh,
        scratch_types=[
            pltpu.VMEM((_NSUB, _SUB), jnp.int32),
            pltpu.VMEM((_NSUB, _SUB), jnp.int32),
            pltpu.VMEM((_C, _D), jnp.float32),
            pltpu.VMEM((_C, _D), jnp.float32),
            pltpu.SemaphoreType.DMA,
            pltpu.SemaphoreType.DMA,
        ],
    )(_gather_body)
    return run(idx2d, table)


def kernel(input_ids, shared_table, lang_table, lang_id_table, language_id=0):
    bias = lang_id_table[language_id][None, :]
    table = _fuse_tables(shared_table, lang_table, bias)
    idx2d = input_ids.reshape(_N // _SUB, _SUB).astype(jnp.int32)
    out = _gather(idx2d, table)
    return out.reshape(_B, _L, _D)

# --- scband reference (transcript-rebuilt; emitter-appended) ---
"""Pipeline reference for scband-compact-embedding-68418829025631 (READ-ONLY COPY).

The authoritative reference and input builder live on the scoring server;
editing this copy changes nothing except your own understanding.
"""

import jax, jax.numpy as jnp
import numpy as np

VOCAB = 100000
EMBED_DIM = 128
NUM_LANGS = 4
SHARED_RATIO = 0.8
SHARED_DIM = int(EMBED_DIM * SHARED_RATIO)  # 102
LANG_DIM = EMBED_DIM - SHARED_DIM            # 26
B, L = 4096, 200


def setup_inputs(seed: int = 0) -> dict:
    key = jax.random.key(seed)
    k1, k2, k3, k4 = jax.random.split(key, 4)
    input_ids = jax.random.randint(k1, (B, L), 0, VOCAB, dtype=jnp.int64 if jax.config.jax_enable_x64 else jnp.int32)
    shared_table = jax.random.normal(k2, (VOCAB, SHARED_DIM), dtype=jnp.float32)
    lang_table = jax.random.normal(k3, (VOCAB, LANG_DIM), dtype=jnp.float32)
    lang_id_table = jax.random.normal(k4, (NUM_LANGS, EMBED_DIM), dtype=jnp.float32)
    return {
        "input_ids": input_ids,
        "shared_table": shared_table,
        "lang_table": lang_table,
        "lang_id_table": lang_id_table,
        "language_id": 0,
    }


def reference(input_ids, shared_table, lang_table, lang_id_table, language_id=0):
    # shared embedding gather
    shared_emb = jnp.take(shared_table, input_ids, axis=0)   # [B, L, SHARED_DIM]
    # language-specific embedding gather (table for the selected language)
    lang_emb = jnp.take(lang_table, input_ids, axis=0)       # [B, L, LANG_DIM]
    # language-id embedding (single row)
    lang_id_emb = lang_id_table[language_id]                 # [EMBED_DIM]
    combined = jnp.concatenate([shared_emb, lang_emb], axis=-1)  # [B, L, EMBED_DIM]
    combined = combined + lang_id_emb[None, None, :]
    return combined

if __name__ == "__main__":
    import jax
    _d = setup_inputs()
    print(jax.jit(kernel)(*tuple(_d.values())))

</pallas_src>

<mosaic_0001>
#map = affine_map<(d0, d1) -> (0, 0)>
module attributes {stable_mosaic.version = 14 : i64} {
  func.func @_gather_body(%arg0: i32, %arg1: i32, %arg2: memref<6400x128xi32, #tpu.memory_space<hbm>>, %arg3: memref<100000x128xf32, #tpu.memory_space<hbm>>, %arg4: memref<819200x128xf32, #tpu.memory_space<hbm>>, %arg5: memref<2x128xi32, #tpu.memory_space<vmem>>, %arg6: memref<2x128xi32, #tpu.memory_space<vmem>>, %arg7: memref<256x128xf32, #tpu.memory_space<vmem>>, %arg8: memref<256x128xf32, #tpu.memory_space<vmem>>, %arg9: memref<!tpu.dma_semaphore, #tpu.memory_space<semaphore_mem>>, %arg10: memref<!tpu.dma_semaphore, #tpu.memory_space<semaphore_mem>>) attributes {dimension_semantics = [#tpu.dimension_semantics<core_parallel>, #tpu.dimension_semantics<subcore_parallel>], iteration_bounds = array<i64: 2, 16>, scalar_prefetch = 0 : i64, scratch_operands = 6 : i64, tpu.core_type = #tpu.core_type<sc_vector_subcore>, window_params = [{transform_indices = #map}, {transform_indices = #map}, {transform_indices = #map}]} {
    %mul3A = arith.constant 2 : i32
    %mul3A_0 = arith.muli %arg1, %mul3A : i32
    %add3A = arith.addi %mul3A_0, %arg0 : i32
    %mul3A_1 = arith.constant 200 : i32
    %mul3A_2 = arith.muli %add3A, %mul3A_1 : i32
    %mul3A_3 = arith.constant 25600 : i32
    %mul3A_4 = arith.muli %add3A, %mul3A_3 : i32
    %add3A_5 = arith.constant 0 : i32
    %add3A_6 = arith.addi %mul3A_2, %add3A_5 : i32
    "tpu.region"() ({
      %run_scoped3A = tpu.sem_alloc : memref<!tpu.dma_semaphore, #tpu.memory_space<semaphore_mem>>
      %dma_start3A_96 = arith.constant 0 : i32
      %dma_start3A_97 = tpu.memref_slice %arg2[%add3A_6, %dma_start3A_96] : memref<6400x128xi32, #tpu.memory_space<hbm>> -> memref<2x128xi32, #tpu.memory_space<hbm>>
      %dma_start3A_98 = arith.constant 0 : i32
      %dma_start3A_99 = tpu.memref_slice %arg2[%add3A_6, %dma_start3A_98] : memref<6400x128xi32, #tpu.memory_space<hbm>> -> memref<2x128xi32, #tpu.memory_space<hbm>>
      tpu.enqueue_dma source(%dma_start3A_99 : memref<2x128xi32, #tpu.memory_space<hbm>>) target(%arg5 : memref<2x128xi32, #tpu.memory_space<vmem>>) target_semaphore(%run_scoped3A : memref<!tpu.dma_semaphore, #tpu.memory_space<semaphore_mem>>)
      %dma_wait3A_100 = arith.constant 0 : i32
      %dma_wait3A_101 = tpu.memref_slice %arg2[%add3A_6, %dma_wait3A_100] : memref<6400x128xi32, #tpu.memory_space<hbm>> -> memref<2x128xi32, #tpu.memory_space<hbm>>
      %dma_wait3A_102 = arith.constant 0 : i32
      %dma_wait3A_103 = tpu.memref_slice %arg2[%add3A_6, %dma_wait3A_102] : memref<6400x128xi32, #tpu.memory_space<hbm>> -> memref<2x128xi32, #tpu.memory_space<hbm>>
      tpu.wait_dma2 semaphore(%run_scoped3A : memref<!tpu.dma_semaphore, #tpu.memory_space<semaphore_mem>>) src(%dma_wait3A_103 : memref<2x128xi32, #tpu.memory_space<hbm>>) dst(%arg5 : memref<2x128xi32, #tpu.memory_space<vmem>>)
      tpu.yield
    }) : () -> ()
    %dma_start3A = arith.constant 0 : i32
    %dma_start3A_7 = arith.constant 0 : i32
    %dma_start3A_8 = arith.constant 0 : i32
    %dma_start3A_9 = tpu.memref_slice %arg7[%dma_start3A_7, %dma_start3A_8] : memref<256x128xf32, #tpu.memory_space<vmem>> -> memref<128x128xf32, #tpu.memory_space<vmem>>
    %dma_start3A_10 = arith.constant 0 : i32
    %dma_start3A_11 = tpu.memref_slice %arg5[%dma_start3A, %dma_start3A_10] : memref<2x128xi32, #tpu.memory_space<vmem>> -> memref<1x128xi32, #tpu.memory_space<vmem>>
    %dma_start3A_12 = tpu.memref_squeeze %dma_start3A_11 : memref<1x128xi32, #tpu.memory_space<vmem>> -> memref<128xi32, #tpu.memory_space<vmem>>
    %dma_start3A_13 = arith.constant 0 : i32
    %dma_start3A_14 = arith.constant 0 : i32
    %dma_start3A_15 = tpu.memref_slice %arg3[%dma_start3A_13, %dma_start3A_14] : memref<100000x128xf32, #tpu.memory_space<hbm>> -> memref<100000x128xf32, #tpu.memory_space<hbm>>
    tpu.enqueue_indirect_dma source(%dma_start3A_15 : memref<100000x128xf32, #tpu.memory_space<hbm>>) target(%dma_start3A_9 : memref<128x128xf32, #tpu.memory_space<vmem>>) offsets(%dma_start3A_12 : memref<128xi32, #tpu.memory_space<vmem>>) semaphore(%arg9 : memref<!tpu.dma_semaphore, #tpu.memory_space<semaphore_mem>>)
    %dma_start3A_16 = arith.constant 1 : i32
    %dma_start3A_17 = arith.constant 128 : i32
    %dma_start3A_18 = arith.constant 0 : i32
    %dma_start3A_19 = tpu.memref_slice %arg7[%dma_start3A_17, %dma_start3A_18] : memref<256x128xf32, #tpu.memory_space<vmem>> -> memref<128x128xf32, #tpu.memory_space<vmem>>
    %dma_start3A_20 = arith.constant 0 : i32
    %dma_start3A_21 = tpu.memref_slice %arg5[%dma_start3A_16, %dma_start3A_20] : memref<2x128xi32, #tpu.memory_space<vmem>> -> memref<1x128xi32, #tpu.memory_space<vmem>>
    %dma_start3A_22 = tpu.memref_squeeze %dma_start3A_21 : memref<1x128xi32, #tpu.memory_space<vmem>> -> memref<128xi32, #tpu.memory_space<vmem>>
    %dma_start3A_23 = arith.constant 0 : i32
    %dma_start3A_24 = arith.constant 0 : i32
    %dma_start3A_25 = tpu.memref_slice %arg3[%dma_start3A_23, %dma_start3A_24] : memref<100000x128xf32, #tpu.memory_space<hbm>> -> memref<100000x128xf32, #tpu.memory_space<hbm>>
    tpu.enqueue_indirect_dma source(%dma_start3A_25 : memref<100000x128xf32, #tpu.memory_space<hbm>>) target(%dma_start3A_19 : memref<128x128xf32, #tpu.memory_space<vmem>>) offsets(%dma_start3A_22 : memref<128xi32, #tpu.memory_space<vmem>>) semaphore(%arg9 : memref<!tpu.dma_semaphore, #tpu.memory_space<semaphore_mem>>)
    %scan3A = arith.constant 0 : i32
    %scan3A_26 = arith.constant 0 : i32
    %scan3A_27 = arith.constant 49 : i32
    %scan3A_28 = arith.addi %scan3A_26, %scan3A_27 : i32
    %scan3A_29 = arith.constant 1 : i32
    scf.for %scan3A_96 = %scan3A_26 to %scan3A_28 step %scan3A_29  : i32 {
      %mul3A_97 = arith.constant 2 : i32
      %mul3A_98 = arith.muli %mul3A_97, %scan3A_96 : i32
      %dma_wait3A_99 = arith.constant 0 : i32
      %dma_wait3A_100 = arith.constant 0 : i32
      %dma_wait3A_101 = arith.constant 0 : i32
      %dma_wait3A_102 = tpu.memref_slice %arg7[%dma_wait3A_100, %dma_wait3A_101] : memref<256x128xf32, #tpu.memory_space<vmem>> -> memref<128x128xf32, #tpu.memory_space<vmem>>
      %dma_wait3A_103 = arith.constant 0 : i32
      %dma_wait3A_104 = tpu.memref_slice %arg5[%dma_wait3A_99, %dma_wait3A_103] : memref<2x128xi32, #tpu.memory_space<vmem>> -> memref<1x128xi32, #tpu.memory_space<vmem>>
      %dma_wait3A_105 = tpu.memref_squeeze %dma_wait3A_104 : memref<1x128xi32, #tpu.memory_space<vmem>> -> memref<128xi32, #tpu.memory_space<vmem>>
      %dma_wait3A_106 = arith.constant 0 : i32
      %dma_wait3A_107 = arith.constant 0 : i32
      %dma_wait3A_108 = tpu.memref_slice %arg3[%dma_wait3A_106, %dma_wait3A_107] : memref<100000x128xf32, #tpu.memory_space<hbm>> -> memref<100000x128xf32, #tpu.memory_space<hbm>>
      tpu.wait_indirect_dma semaphore(%arg9 : memref<!tpu.dma_semaphore, #tpu.memory_space<semaphore_mem>>) src(%dma_wait3A_108 : memref<100000x128xf32, #tpu.memory_space<hbm>>) dst(%dma_wait3A_102 : memref<128x128xf32, #tpu.memory_space<vmem>>)
      %dma_wait3A_109 = arith.constant 1 : i32
      %dma_wait3A_110 = arith.constant 128 : i32
      %dma_wait3A_111 = arith.constant 0 : i32
      %dma_wait3A_112 = tpu.memref_slice %arg7[%dma_wait3A_110, %dma_wait3A_111] : memref<256x128xf32, #tpu.memory_space<vmem>> -> memref<128x128xf32, #tpu.memory_space<vmem>>
      %dma_wait3A_113 = arith.constant 0 : i32
      %dma_wait3A_114 = tpu.memref_slice %arg5[%dma_wait3A_109, %dma_wait3A_113] : memref<2x128xi32, #tpu.memory_space<vmem>> -> memref<1x128xi32, #tpu.memory_space<vmem>>
      %dma_wait3A_115 = tpu.memref_squeeze %dma_wait3A_114 : memref<1x128xi32, #tpu.memory_space<vmem>> -> memref<128xi32, #tpu.memory_space<vmem>>
      %dma_wait3A_116 = arith.constant 0 : i32
      %dma_wait3A_117 = arith.constant 0 : i32
      %dma_wait3A_118 = tpu.memref_slice %arg3[%dma_wait3A_116, %dma_wait3A_117] : memref<100000x128xf32, #tpu.memory_space<hbm>> -> memref<100000x128xf32, #tpu.memory_space<hbm>>
      tpu.wait_indirect_dma semaphore(%arg9 : memref<!tpu.dma_semaphore, #tpu.memory_space<semaphore_mem>>) src(%dma_wait3A_118 : memref<100000x128xf32, #tpu.memory_space<hbm>>) dst(%dma_wait3A_112 : memref<128x128xf32, #tpu.memory_space<vmem>>)
      %add3A_119 = arith.constant 1 : i32
      %add3A_120 = arith.addi %mul3A_98, %add3A_119 : i32
      %mul3A_121 = arith.constant 2 : i32
      %mul3A_122 = arith.muli %add3A_120, %mul3A_121 : i32
      %add3A_123 = arith.addi %mul3A_2, %mul3A_122 : i32
      "tpu.region"() ({
        %run_scoped3A = tpu.sem_alloc : memref<!tpu.dma_semaphore, #tpu.memory_space<semaphore_mem>>
        %dma_start3A_197 = arith.constant 0 : i32
        %dma_start3A_198 = tpu.memref_slice %arg2[%add3A_123, %dma_start3A_197] : memref<6400x128xi32, #tpu.memory_space<hbm>> -> memref<2x128xi32, #tpu.memory_space<hbm>>
        %dma_start3A_199 = arith.constant 0 : i32
        %dma_start3A_200 = tpu.memref_slice %arg2[%add3A_123, %dma_start3A_199] : memref<6400x128xi32, #tpu.memory_space<hbm>> -> memref<2x128xi32, #tpu.memory_space<hbm>>
        tpu.enqueue_dma source(%dma_start3A_200 : memref<2x128xi32, #tpu.memory_space<hbm>>) target(%arg6 : memref<2x128xi32, #tpu.memory_space<vmem>>) target_semaphore(%run_scoped3A : memref<!tpu.dma_semaphore, #tpu.memory_space<semaphore_mem>>)
        %dma_wait3A_201 = arith.constant 0 : i32
        %dma_wait3A_202 = tpu.memref_slice %arg2[%add3A_123, %dma_wait3A_201] : memref<6400x128xi32, #tpu.memory_space<hbm>> -> memref<2x128xi32, #tpu.memory_space<hbm>>
        %dma_wait3A_203 = arith.constant 0 : i32
        %dma_wait3A_204 = tpu.memref_slice %arg2[%add3A_123, %dma_wait3A_203] : memref<6400x128xi32, #tpu.memory_space<hbm>> -> memref<2x128xi32, #tpu.memory_space<hbm>>
        tpu.wait_dma2 semaphore(%run_scoped3A : memref<!tpu.dma_semaphore, #tpu.memory_space<semaphore_mem>>) src(%dma_wait3A_204 : memref<2x128xi32, #tpu.memory_space<hbm>>) dst(%arg6 : memref<2x128xi32, #tpu.memory_space<vmem>>)
        tpu.yield
      }) : () -> ()
      %dma_start3A_124 = arith.constant 0 : i32
      %dma_start3A_125 = arith.constant 0 : i32
      %dma_start3A_126 = arith.constant 0 : i32
      %dma_start3A_127 = tpu.memref_slice %arg8[%dma_start3A_125, %dma_start3A_126] : memref<256x128xf32, #tpu.memory_space<vmem>> -> memref<128x128xf32, #tpu.memory_space<vmem>>
      %dma_start3A_128 = arith.constant 0 : i32
      %dma_start3A_129 = tpu.memref_slice %arg6[%dma_start3A_124, %dma_start3A_128] : memref<2x128xi32, #tpu.memory_space<vmem>> -> memref<1x128xi32, #tpu.memory_space<vmem>>
      %dma_start3A_130 = tpu.memref_squeeze %dma_start3A_129 : memref<1x128xi32, #tpu.memory_space<vmem>> -> memref<128xi32, #tpu.memory_space<vmem>>
      %dma_start3A_131 = arith.constant 0 : i32
      %dma_start3A_132 = arith.constant 0 : i32
      %dma_start3A_133 = tpu.memref_slice %arg3[%dma_start3A_131, %dma_start3A_132] : memref<100000x128xf32, #tpu.memory_space<hbm>> -> memref<100000x128xf32, #tpu.memory_space<hbm>>
      tpu.enqueue_indirect_dma source(%dma_start3A_133 : memref<100000x128xf32, #tpu.memory_space<hbm>>) target(%dma_start3A_127 : memref<128x128xf32, #tpu.memory_space<vmem>>) offsets(%dma_start3A_130 : memref<128xi32, #tpu.memory_space<vmem>>) semaphore(%arg10 : memref<!tpu.dma_semaphore, #tpu.memory_space<semaphore_mem>>)
      %dma_start3A_134 = arith.constant 1 : i32
      %dma_start3A_135 = arith.constant 128 : i32
      %dma_start3A_136 = arith.constant 0 : i32
      %dma_start3A_137 = tpu.memref_slice %arg8[%dma_start3A_135, %dma_start3A_136] : memref<256x128xf32, #tpu.memory_space<vmem>> -> memref<128x128xf32, #tpu.memory_space<vmem>>
      %dma_start3A_138 = arith.constant 0 : i32
      %dma_start3A_139 = tpu.memref_slice %arg6[%dma_start3A_134, %dma_start3A_138] : memref<2x128xi32, #tpu.memory_space<vmem>> -> memref<1x128xi32, #tpu.memory_space<vmem>>
      %dma_start3A_140 = tpu.memref_squeeze %dma_start3A_139 : memref<1x128xi32, #tpu.memory_space<vmem>> -> memref<128xi32, #tpu.memory_space<vmem>>
      %dma_start3A_141 = arith.constant 0 : i32
      %dma_start3A_142 = arith.constant 0 : i32
      %dma_start3A_143 = tpu.memref_slice %arg3[%dma_start3A_141, %dma_start3A_142] : memref<100000x128xf32, #tpu.memory_space<hbm>> -> memref<100000x128xf32, #tpu.memory_space<hbm>>
      tpu.enqueue_indirect_dma source(%dma_start3A_143 : memref<100000x128xf32, #tpu.memory_space<hbm>>) target(%dma_start3A_137 : memref<128x128xf32, #tpu.memory_space<vmem>>) offsets(%dma_start3A_140 : memref<128xi32, #tpu.memory_space<vmem>>) semaphore(%arg10 : memref<!tpu.dma_semaphore, #tpu.memory_space<semaphore_mem>>)
      %mul3A_144 = arith.constant 256 : i32
      %mul3A_145 = arith.muli %mul3A_98, %mul3A_144 : i32
      %add3A_146 = arith.addi %mul3A_4, %mul3A_145 : i32
      "tpu.region"() ({
        %run_scoped3A = tpu.sem_alloc : memref<!tpu.dma_semaphore, #tpu.memory_space<semaphore_mem>>
        %dma_start3A_197 = arith.constant 0 : i32
        %dma_start3A_198 = tpu.memref_slice %arg4[%add3A_146, %dma_start3A_197] : memref<819200x128xf32, #tpu.memory_space<hbm>> -> memref<256x128xf32, #tpu.memory_space<hbm>>
        %dma_start3A_199 = arith.constant 0 : i32
        %dma_start3A_200 = tpu.memref_slice %arg4[%add3A_146, %dma_start3A_199] : memref<819200x128xf32, #tpu.memory_space<hbm>> -> memref<256x128xf32, #tpu.memory_space<hbm>>
        tpu.enqueue_dma source(%arg7 : memref<256x128xf32, #tpu.memory_space<vmem>>) target(%dma_start3A_200 : memref<256x128xf32, #tpu.memory_space<hbm>>) target_semaphore(%run_scoped3A : memref<!tpu.dma_semaphore, #tpu.memory_space<semaphore_mem>>)
        %dma_wait3A_201 = arith.constant 0 : i32
        %dma_wait3A_202 = tpu.memref_slice %arg4[%add3A_146, %dma_wait3A_201] : memref<819200x128xf32, #tpu.memory_space<hbm>> -> memref<256x128xf32, #tpu.memory_space<hbm>>
        %dma_wait3A_203 = arith.constant 0 : i32
        %dma_wait3A_204 = tpu.memref_slice %arg4[%add3A_146, %dma_wait3A_203] : memref<819200x128xf32, #tpu.memory_space<hbm>> -> memref<256x128xf32, #tpu.memory_space<hbm>>
        tpu.wait_dma2 semaphore(%run_scoped3A : memref<!tpu.dma_semaphore, #tpu.memory_space<semaphore_mem>>) src(%arg7 : memref<256x128xf32, #tpu.memory_space<vmem>>) dst(%dma_wait3A_204 : memref<256x128xf32, #tpu.memory_space<hbm>>)
        tpu.yield
      }) : () -> ()
      %dma_wait3A_147 = arith.constant 0 : i32
      %dma_wait3A_148 = arith.constant 0 : i32
      %dma_wait3A_149 = arith.constant 0 : i32
      %dma_wait3A_150 = tpu.memref_slice %arg8[%dma_wait3A_148, %dma_wait3A_149] : memref<256x128xf32, #tpu.memory_space<vmem>> -> memref<128x128xf32, #tpu.memory_space<vmem>>
      %dma_wait3A_151 = arith.constant 0 : i32
      %dma_wait3A_152 = tpu.memref_slice %arg6[%dma_wait3A_147, %dma_wait3A_151] : memref<2x128xi32, #tpu.memory_space<vmem>> -> memref<1x128xi32, #tpu.memory_space<vmem>>
      %dma_wait3A_153 = tpu.memref_squeeze %dma_wait3A_152 : memref<1x128xi32, #tpu.memory_space<vmem>> -> memref<128xi32, #tpu.memory_space<vmem>>
      %dma_wait3A_154 = arith.constant 0 : i32
      %dma_wait3A_155 = arith.constant 0 : i32
      %dma_wait3A_156 = tpu.memref_slice %arg3[%dma_wait3A_154, %dma_wait3A_155] : memref<100000x128xf32, #tpu.memory_space<hbm>> -> memref<100000x128xf32, #tpu.memory_space<hbm>>
      tpu.wait_indirect_dma semaphore(%arg10 : memref<!tpu.dma_semaphore, #tpu.memory_space<semaphore_mem>>) src(%dma_wait3A_156 : memref<100000x128xf32, #tpu.memory_space<hbm>>) dst(%dma_wait3A_150 : memref<128x128xf32, #tpu.memory_space<vmem>>)
      %dma_wait3A_157 = arith.constant 1 : i32
      %dma_wait3A_158 = arith.constant 128 : i32
      %dma_wait3A_159 = arith.constant 0 : i32
      %dma_wait3A_160 = tpu.memref_slice %arg8[%dma_wait3A_158, %dma_wait3A_159] : memref<256x128xf32, #tpu.memory_space<vmem>> -> memref<128x128xf32, #tpu.memory_space<vmem>>
      %dma_wait3A_161 = arith.constant 0 : i32
      %dma_wait3A_162 = tpu.memref_slice %arg6[%dma_wait3A_157, %dma_wait3A_161] : memref<2x128xi32, #tpu.memory_space<vmem>> -> memref<1x128xi32, #tpu.memory_space<vmem>>
      %dma_wait3A_163 = tpu.memref_squeeze %dma_wait3A_162 : memref<1x128xi32, #tpu.memory_space<vmem>> -> memref<128xi32, #tpu.memory_space<vmem>>
      %dma_wait3A_164 = arith.constant 0 : i32
      %dma_wait3A_165 = arith.constant 0 : i32
      %dma_wait3A_166 = tpu.memref_slice %arg3[%dma_wait3A_164, %dma_wait3A_165] : memref<100000x128xf32, #tpu.memory_space<hbm>> -> memref<100000x128xf32, #tpu.memory_space<hbm>>
      tpu.wait_indirect_dma semaphore(%arg10 : memref<!tpu.dma_semaphore, #tpu.memory_space<semaphore_mem>>) src(%dma_wait3A_166 : memref<100000x128xf32, #tpu.memory_space<hbm>>) dst(%dma_wait3A_160 : memref<128x128xf32, #tpu.memory_space<vmem>>)
      %add3A_167 = arith.constant 2 : i32
      %add3A_168 = arith.addi %mul3A_98, %add3A_167 : i32
      %mul3A_169 = arith.constant 2 : i32
      %mul3A_170 = arith.muli %add3A_168, %mul3A_169 : i32
      %add3A_171 = arith.addi %mul3A_2, %mul3A_170 : i32
      "tpu.region"() ({
        %run_scoped3A = tpu.sem_alloc : memref<!tpu.dma_semaphore, #tpu.memory_space<semaphore_mem>>
        %dma_start3A_197 = arith.constant 0 : i32
        %dma_start3A_198 = tpu.memref_slice %arg2[%add3A_171, %dma_start3A_197] : memref<6400x128xi32, #tpu.memory_space<hbm>> -> memref<2x128xi32, #tpu.memory_space<hbm>>
        %dma_start3A_199 = arith.constant 0 : i32
        %dma_start3A_200 = tpu.memref_slice %arg2[%add3A_171, %dma_start3A_199] : memref<6400x128xi32, #tpu.memory_space<hbm>> -> memref<2x128xi32, #tpu.memory_space<hbm>>
        tpu.enqueue_dma source(%dma_start3A_200 : memref<2x128xi32, #tpu.memory_space<hbm>>) target(%arg5 : memref<2x128xi32, #tpu.memory_space<vmem>>) target_semaphore(%run_scoped3A : memref<!tpu.dma_semaphore, #tpu.memory_space<semaphore_mem>>)
        %dma_wait3A_201 = arith.constant 0 : i32
        %dma_wait3A_202 = tpu.memref_slice %arg2[%add3A_171, %dma_wait3A_201] : memref<6400x128xi32, #tpu.memory_space<hbm>> -> memref<2x128xi32, #tpu.memory_space<hbm>>
        %dma_wait3A_203 = arith.constant 0 : i32
        %dma_wait3A_204 = tpu.memref_slice %arg2[%add3A_171, %dma_wait3A_203] : memref<6400x128xi32, #tpu.memory_space<hbm>> -> memref<2x128xi32, #tpu.memory_space<hbm>>
        tpu.wait_dma2 semaphore(%run_scoped3A : memref<!tpu.dma_semaphore, #tpu.memory_space<semaphore_mem>>) src(%dma_wait3A_204 : memref<2x128xi32, #tpu.memory_space<hbm>>) dst(%arg5 : memref<2x128xi32, #tpu.memory_space<vmem>>)
        tpu.yield
      }) : () -> ()
      %dma_start3A_172 = arith.constant 0 : i32
      %dma_start3A_173 = arith.constant 0 : i32
      %dma_start3A_174 = arith.constant 0 : i32
      %dma_start3A_175 = tpu.memref_slice %arg7[%dma_start3A_173, %dma_start3A_174] : memref<256x128xf32, #tpu.memory_space<vmem>> -> memref<128x128xf32, #tpu.memory_space<vmem>>
      %dma_start3A_176 = arith.constant 0 : i32
      %dma_start3A_177 = tpu.memref_slice %arg5[%dma_start3A_172, %dma_start3A_176] : memref<2x128xi32, #tpu.memory_space<vmem>> -> memref<1x128xi32, #tpu.memory_space<vmem>>
      %dma_start3A_178 = tpu.memref_squeeze %dma_start3A_177 : memref<1x128xi32, #tpu.memory_space<vmem>> -> memref<128xi32, #tpu.memory_space<vmem>>
      %dma_start3A_179 = arith.constant 0 : i32
      %dma_start3A_180 = arith.constant 0 : i32
      %dma_start3A_181 = tpu.memref_slice %arg3[%dma_start3A_179, %dma_start3A_180] : memref<100000x128xf32, #tpu.memory_space<hbm>> -> memref<100000x128xf32, #tpu.memory_space<hbm>>
      tpu.enqueue_indirect_dma source(%dma_start3A_181 : memref<100000x128xf32, #tpu.memory_space<hbm>>) target(%dma_start3A_175 : memref<128x128xf32, #tpu.memory_space<vmem>>) offsets(%dma_start3A_178 : memref<128xi32, #tpu.memory_space<vmem>>) semaphore(%arg9 : memref<!tpu.dma_semaphore, #tpu.memory_space<semaphore_mem>>)
      %dma_start3A_182 = arith.constant 1 : i32
      %dma_start3A_183 = arith.constant 128 : i32
      %dma_start3A_184 = arith.constant 0 : i32
      %dma_start3A_185 = tpu.memref_slice %arg7[%dma_start3A_183, %dma_start3A_184] : memref<256x128xf32, #tpu.memory_space<vmem>> -> memref<128x128xf32, #tpu.memory_space<vmem>>
      %dma_start3A_186 = arith.constant 0 : i32
      %dma_start3A_187 = tpu.memref_slice %arg5[%dma_start3A_182, %dma_start3A_186] : memref<2x128xi32, #tpu.memory_space<vmem>> -> memref<1x128xi32, #tpu.memory_space<vmem>>
      %dma_start3A_188 = tpu.memref_squeeze %dma_start3A_187 : memref<1x128xi32, #tpu.memory_space<vmem>> -> memref<128xi32, #tpu.memory_space<vmem>>
      %dma_start3A_189 = arith.constant 0 : i32
      %dma_start3A_190 = arith.constant 0 : i32
      %dma_start3A_191 = tpu.memref_slice %arg3[%dma_start3A_189, %dma_start3A_190] : memref<100000x128xf32, #tpu.memory_space<hbm>> -> memref<100000x128xf32, #tpu.memory_space<hbm>>
      tpu.enqueue_indirect_dma source(%dma_start3A_191 : memref<100000x128xf32, #tpu.memory_space<hbm>>) target(%dma_start3A_185 : memref<128x128xf32, #tpu.memory_space<vmem>>) offsets(%dma_start3A_188 : memref<128xi32, #tpu.memory_space<vmem>>) semaphore(%arg9 : memref<!tpu.dma_semaphore, #tpu.memory_space<semaphore_mem>>)
      %add3A_192 = arith.constant 1 : i32
      %add3A_193 = arith.addi %mul3A_98, %add3A_192 : i32
      %mul3A_194 = arith.constant 256 : i32
      %mul3A_195 = arith.muli %add3A_193, %mul3A_194 : i32
      %add3A_196 = arith.addi %mul3A_4, %mul3A_195 : i32
      "tpu.region"() ({
        %run_scoped3A = tpu.sem_alloc : memref<!tpu.dma_semaphore, #tpu.memory_space<semaphore_mem>>
        %dma_start3A_197 = arith.constant 0 : i32
        %dma_start3A_198 = tpu.memref_slice %arg4[%add3A_196, %dma_start3A_197] : memref<819200x128xf32, #tpu.memory_space<hbm>> -> memref<256x128xf32, #tpu.memory_space<hbm>>
        %dma_start3A_199 = arith.constant 0 : i32
        %dma_start3A_200 = tpu.memref_slice %arg4[%add3A_196, %dma_start3A_199] : memref<819200x128xf32, #tpu.memory_space<hbm>> -> memref<256x128xf32, #tpu.memory_space<hbm>>
        tpu.enqueue_dma source(%arg8 : memref<256x128xf32, #tpu.memory_space<vmem>>) target(%dma_start3A_200 : memref<256x128xf32, #tpu.memory_space<hbm>>) target_semaphore(%run_scoped3A : memref<!tpu.dma_semaphore, #tpu.memory_space<semaphore_mem>>)
        %dma_wait3A_201 = arith.constant 0 : i32
        %dma_wait3A_202 = tpu.memref_slice %arg4[%add3A_196, %dma_wait3A_201] : memref<819200x128xf32, #tpu.memory_space<hbm>> -> memref<256x128xf32, #tpu.memory_space<hbm>>
        %dma_wait3A_203 = arith.constant 0 : i32
        %dma_wait3A_204 = tpu.memref_slice %arg4[%add3A_196, %dma_wait3A_203] : memref<819200x128xf32, #tpu.memory_space<hbm>> -> memref<256x128xf32, #tpu.memory_space<hbm>>
        tpu.wait_dma2 semaphore(%run_scoped3A : memref<!tpu.dma_semaphore, #tpu.memory_space<semaphore_mem>>) src(%arg8 : memref<256x128xf32, #tpu.memory_space<vmem>>) dst(%dma_wait3A_204 : memref<256x128xf32, #tpu.memory_space<hbm>>)
        tpu.yield
      }) : () -> ()
    }
    %scan3A_30 = arith.constant 49 : i32
    %dma_wait3A = arith.constant 0 : i32
    %dma_wait3A_31 = arith.constant 0 : i32
    %dma_wait3A_32 = arith.constant 0 : i32
    %dma_wait3A_33 = tpu.memref_slice %arg7[%dma_wait3A_31, %dma_wait3A_32] : memref<256x128xf32, #tpu.memory_space<vmem>> -> memref<128x128xf32, #tpu.memory_space<vmem>>
    %dma_wait3A_34 = arith.constant 0 : i32
    %dma_wait3A_35 = tpu.memref_slice %arg5[%dma_wait3A, %dma_wait3A_34] : memref<2x128xi32, #tpu.memory_space<vmem>> -> memref<1x128xi32, #tpu.memory_space<vmem>>
    %dma_wait3A_36 = tpu.memref_squeeze %dma_wait3A_35 : memref<1x128xi32, #tpu.memory_space<vmem>> -> memref<128xi32, #tpu.memory_space<vmem>>
    %dma_wait3A_37 = arith.constant 0 : i32
    %dma_wait3A_38 = arith.constant 0 : i32
    %dma_wait3A_39 = tpu.memref_slice %arg3[%dma_wait3A_37, %dma_wait3A_38] : memref<100000x128xf32, #tpu.memory_space<hbm>> -> memref<100000x128xf32, #tpu.memory_space<hbm>>
    tpu.wait_indirect_dma semaphore(%arg9 : memref<!tpu.dma_semaphore, #tpu.memory_space<semaphore_mem>>) src(%dma_wait3A_39 : memref<100000x128xf32, #tpu.memory_space<hbm>>) dst(%dma_wait3A_33 : memref<128x128xf32, #tpu.memory_space<vmem>>)
    %dma_wait3A_40 = arith.constant 1 : i32
    %dma_wait3A_41 = arith.constant 128 : i32
    %dma_wait3A_42 = arith.constant 0 : i32
    %dma_wait3A_43 = tpu.memref_slice %arg7[%dma_wait3A_41, %dma_wait3A_42] : memref<256x128xf32, #tpu.memory_space<vmem>> -> memref<128x128xf32, #tpu.memory_space<vmem>>
    %dma_wait3A_44 = arith.constant 0 : i32
    %dma_wait3A_45 = tpu.memref_slice %arg5[%dma_wait3A_40, %dma_wait3A_44] : memref<2x128xi32, #tpu.memory_space<vmem>> -> memref<1x128xi32, #tpu.memory_space<vmem>>
    %dma_wait3A_46 = tpu.memref_squeeze %dma_wait3A_45 : memref<1x128xi32, #tpu.memory_space<vmem>> -> memref<128xi32, #tpu.memory_space<vmem>>
    %dma_wait3A_47 = arith.constant 0 : i32
    %dma_wait3A_48 = arith.constant 0 : i32
    %dma_wait3A_49 = tpu.memref_slice %arg3[%dma_wait3A_47, %dma_wait3A_48] : memref<100000x128xf32, #tpu.memory_space<hbm>> -> memref<100000x128xf32, #tpu.memory_space<hbm>>
    tpu.wait_indirect_dma semaphore(%arg9 : memref<!tpu.dma_semaphore, #tpu.memory_space<semaphore_mem>>) src(%dma_wait3A_49 : memref<100000x128xf32, #tpu.memory_space<hbm>>) dst(%dma_wait3A_43 : memref<128x128xf32, #tpu.memory_space<vmem>>)
    %add3A_50 = arith.constant 198 : i32
    %add3A_51 = arith.addi %mul3A_2, %add3A_50 : i32
    "tpu.region"() ({
      %run_scoped3A = tpu.sem_alloc : memref<!tpu.dma_semaphore, #tpu.memory_space<semaphore_mem>>
      %dma_start3A_96 = arith.constant 0 : i32
      %dma_start3A_97 = tpu.memref_slice %arg2[%add3A_51, %dma_start3A_96] : memref<6400x128xi32, #tpu.memory_space<hbm>> -> memref<2x128xi32, #tpu.memory_space<hbm>>
      %dma_start3A_98 = arith.constant 0 : i32
      %dma_start3A_99 = tpu.memref_slice %arg2[%add3A_51, %dma_start3A_98] : memref<6400x128xi32, #tpu.memory_space<hbm>> -> memref<2x128xi32, #tpu.memory_space<hbm>>
      tpu.enqueue_dma source(%dma_start3A_99 : memref<2x128xi32, #tpu.memory_space<hbm>>) target(%arg6 : memref<2x128xi32, #tpu.memory_space<vmem>>) target_semaphore(%run_scoped3A : memref<!tpu.dma_semaphore, #tpu.memory_space<semaphore_mem>>)
      %dma_wait3A_100 = arith.constant 0 : i32
      %dma_wait3A_101 = tpu.memref_slice %arg2[%add3A_51, %dma_wait3A_100] : memref<6400x128xi32, #tpu.memory_space<hbm>> -> memref<2x128xi32, #tpu.memory_space<hbm>>
      %dma_wait3A_102 = arith.constant 0 : i32
      %dma_wait3A_103 = tpu.memref_slice %arg2[%add3A_51, %dma_wait3A_102] : memref<6400x128xi32, #tpu.memory_space<hbm>> -> memref<2x128xi32, #tpu.memory_space<hbm>>
      tpu.wait_dma2 semaphore(%run_scoped3A : memref<!tpu.dma_semaphore, #tpu.memory_space<semaphore_mem>>) src(%dma_wait3A_103 : memref<2x128xi32, #tpu.memory_space<hbm>>) dst(%arg6 : memref<2x128xi32, #tpu.memory_space<vmem>>)
      tpu.yield
    }) : () -> ()
    %dma_start3A_52 = arith.constant 0 : i32
    %dma_start3A_53 = arith.constant 0 : i32
    %dma_start3A_54 = arith.constant 0 : i32
    %dma_start3A_55 = tpu.memref_slice %arg8[%dma_start3A_53, %dma_start3A_54] : memref<256x128xf32, #tpu.memory_space<vmem>> -> memref<128x128xf32, #tpu.memory_space<vmem>>
    %dma_start3A_56 = arith.constant 0 : i32
    %dma_start3A_57 = tpu.memref_slice %arg6[%dma_start3A_52, %dma_start3A_56] : memref<2x128xi32, #tpu.memory_space<vmem>> -> memref<1x128xi32, #tpu.memory_space<vmem>>
    %dma_start3A_58 = tpu.memref_squeeze %dma_start3A_57 : memref<1x128xi32, #tpu.memory_space<vmem>> -> memref<128xi32, #tpu.memory_space<vmem>>
    %dma_start3A_59 = arith.constant 0 : i32
    %dma_start3A_60 = arith.constant 0 : i32
    %dma_start3A_61 = tpu.memref_slice %arg3[%dma_start3A_59, %dma_start3A_60] : memref<100000x128xf32, #tpu.memory_space<hbm>> -> memref<100000x128xf32, #tpu.memory_space<hbm>>
    tpu.enqueue_indirect_dma source(%dma_start3A_61 : memref<100000x128xf32, #tpu.memory_space<hbm>>) target(%dma_start3A_55 : memref<128x128xf32, #tpu.memory_space<vmem>>) offsets(%dma_start3A_58 : memref<128xi32, #tpu.memory_space<vmem>>) semaphore(%arg10 : memref<!tpu.dma_semaphore, #tpu.memory_space<semaphore_mem>>)
    %dma_start3A_62 = arith.constant 1 : i32
    %dma_start3A_63 = arith.constant 128 : i32
    %dma_start3A_64 = arith.constant 0 : i32
    %dma_start3A_65 = tpu.memref_slice %arg8[%dma_start3A_63, %dma_start3A_64] : memref<256x128xf32, #tpu.memory_space<vmem>> -> memref<128x128xf32, #tpu.memory_space<vmem>>
    %dma_start3A_66 = arith.constant 0 : i32
    %dma_start3A_67 = tpu.memref_slice %arg6[%dma_start3A_62, %dma_start3A_66] : memref<2x128xi32, #tpu.memory_space<vmem>> -> memref<1x128xi32, #tpu.memory_space<vmem>>
    %dma_start3A_68 = tpu.memref_squeeze %dma_start3A_67 : memref<1x128xi32, #tpu.memory_space<vmem>> -> memref<128xi32, #tpu.memory_space<vmem>>
    %dma_start3A_69 = arith.constant 0 : i32
    %dma_start3A_70 = arith.constant 0 : i32
    %dma_start3A_71 = tpu.memref_slice %arg3[%dma_start3A_69, %dma_start3A_70] : memref<100000x128xf32, #tpu.memory_space<hbm>> -> memref<100000x128xf32, #tpu.memory_space<hbm>>
    tpu.enqueue_indirect_dma source(%dma_start3A_71 : memref<100000x128xf32, #tpu.memory_space<hbm>>) target(%dma_start3A_65 : memref<128x128xf32, #tpu.memory_space<vmem>>) offsets(%dma_start3A_68 : memref<128xi32, #tpu.memory_space<vmem>>) semaphore(%arg10 : memref<!tpu.dma_semaphore, #tpu.memory_space<semaphore_mem>>)
    %add3A_72 = arith.constant 25088 : i32
    %add3A_73 = arith.addi %mul3A_4, %add3A_72 : i32
    "tpu.region"() ({
      %run_scoped3A = tpu.sem_alloc : memref<!tpu.dma_semaphore, #tpu.memory_space<semaphore_mem>>
      %dma_start3A_96 = arith.constant 0 : i32
      %dma_start3A_97 = tpu.memref_slice %arg4[%add3A_73, %dma_start3A_96] : memref<819200x128xf32, #tpu.memory_space<hbm>> -> memref<256x128xf32, #tpu.memory_space<hbm>>
      %dma_start3A_98 = arith.constant 0 : i32
      %dma_start3A_99 = tpu.memref_slice %arg4[%add3A_73, %dma_start3A_98] : memref<819200x128xf32, #tpu.memory_space<hbm>> -> memref<256x128xf32, #tpu.memory_space<hbm>>
      tpu.enqueue_dma source(%arg7 : memref<256x128xf32, #tpu.memory_space<vmem>>) target(%dma_start3A_99 : memref<256x128xf32, #tpu.memory_space<hbm>>) target_semaphore(%run_scoped3A : memref<!tpu.dma_semaphore, #tpu.memory_space<semaphore_mem>>)
      %dma_wait3A_100 = arith.constant 0 : i32
      %dma_wait3A_101 = tpu.memref_slice %arg4[%add3A_73, %dma_wait3A_100] : memref<819200x128xf32, #tpu.memory_space<hbm>> -> memref<256x128xf32, #tpu.memory_space<hbm>>
      %dma_wait3A_102 = arith.constant 0 : i32
      %dma_wait3A_103 = tpu.memref_slice %arg4[%add3A_73, %dma_wait3A_102] : memref<819200x128xf32, #tpu.memory_space<hbm>> -> memref<256x128xf32, #tpu.memory_space<hbm>>
      tpu.wait_dma2 semaphore(%run_scoped3A : memref<!tpu.dma_semaphore, #tpu.memory_space<semaphore_mem>>) src(%arg7 : memref<256x128xf32, #tpu.memory_space<vmem>>) dst(%dma_wait3A_103 : memref<256x128xf32, #tpu.memory_space<hbm>>)
      tpu.yield
    }) : () -> ()
    %dma_wait3A_74 = arith.constant 0 : i32
    %dma_wait3A_75 = arith.constant 0 : i32
    %dma_wait3A_76 = arith.constant 0 : i32
    %dma_wait3A_77 = tpu.memref_slice %arg8[%dma_wait3A_75, %dma_wait3A_76] : memref<256x128xf32, #tpu.memory_space<vmem>> -> memref<128x128xf32, #tpu.memory_space<vmem>>
    %dma_wait3A_78 = arith.constant 0 : i32
    %dma_wait3A_79 = tpu.memref_slice %arg6[%dma_wait3A_74, %dma_wait3A_78] : memref<2x128xi32, #tpu.memory_space<vmem>> -> memref<1x128xi32, #tpu.memory_space<vmem>>
    %dma_wait3A_80 = tpu.memref_squeeze %dma_wait3A_79 : memref<1x128xi32, #tpu.memory_space<vmem>> -> memref<128xi32, #tpu.memory_space<vmem>>
    %dma_wait3A_81 = arith.constant 0 : i32
    %dma_wait3A_82 = arith.constant 0 : i32
    %dma_wait3A_83 = tpu.memref_slice %arg3[%dma_wait3A_81, %dma_wait3A_82] : memref<100000x128xf32, #tpu.memory_space<hbm>> -> memref<100000x128xf32, #tpu.memory_space<hbm>>
    tpu.wait_indirect_dma semaphore(%arg10 : memref<!tpu.dma_semaphore, #tpu.memory_space<semaphore_mem>>) src(%dma_wait3A_83 : memref<100000x128xf32, #tpu.memory_space<hbm>>) dst(%dma_wait3A_77 : memref<128x128xf32, #tpu.memory_space<vmem>>)
    %dma_wait3A_84 = arith.constant 1 : i32
    %dma_wait3A_85 = arith.constant 128 : i32
    %dma_wait3A_86 = arith.constant 0 : i32
    %dma_wait3A_87 = tpu.memref_slice %arg8[%dma_wait3A_85, %dma_wait3A_86] : memref<256x128xf32, #tpu.memory_space<vmem>> -> memref<128x128xf32, #tpu.memory_space<vmem>>
    %dma_wait3A_88 = arith.constant 0 : i32
    %dma_wait3A_89 = tpu.memref_slice %arg6[%dma_wait3A_84, %dma_wait3A_88] : memref<2x128xi32, #tpu.memory_space<vmem>> -> memref<1x128xi32, #tpu.memory_space<vmem>>
    %dma_wait3A_90 = tpu.memref_squeeze %dma_wait3A_89 : memref<1x128xi32, #tpu.memory_space<vmem>> -> memref<128xi32, #tpu.memory_space<vmem>>
    %dma_wait3A_91 = arith.constant 0 : i32
    %dma_wait3A_92 = arith.constant 0 : i32
    %dma_wait3A_93 = tpu.memref_slice %arg3[%dma_wait3A_91, %dma_wait3A_92] : memref<100000x128xf32, #tpu.memory_space<hbm>> -> memref<100000x128xf32, #tpu.memory_space<hbm>>
    tpu.wait_indirect_dma semaphore(%arg10 : memref<!tpu.dma_semaphore, #tpu.memory_space<semaphore_mem>>) src(%dma_wait3A_93 : memref<100000x128xf32, #tpu.memory_space<hbm>>) dst(%dma_wait3A_87 : memref<128x128xf32, #tpu.memory_space<vmem>>)
    %add3A_94 = arith.constant 25344 : i32
    %add3A_95 = arith.addi %mul3A_4, %add3A_94 : i32
    "tpu.region"() ({
      %run_scoped3A = tpu.sem_alloc : memref<!tpu.dma_semaphore, #tpu.memory_space<semaphore_mem>>
      %dma_start3A_96 = arith.constant 0 : i32
      %dma_start3A_97 = tpu.memref_slice %arg4[%add3A_95, %dma_start3A_96] : memref<819200x128xf32, #tpu.memory_space<hbm>> -> memref<256x128xf32, #tpu.memory_space<hbm>>
      %dma_start3A_98 = arith.constant 0 : i32
      %dma_start3A_99 = tpu.memref_slice %arg4[%add3A_95, %dma_start3A_98] : memref<819200x128xf32, #tpu.memory_space<hbm>> -> memref<256x128xf32, #tpu.memory_space<hbm>>
      tpu.enqueue_dma source(%arg8 : memref<256x128xf32, #tpu.memory_space<vmem>>) target(%dma_start3A_99 : memref<256x128xf32, #tpu.memory_space<hbm>>) target_semaphore(%run_scoped3A : memref<!tpu.dma_semaphore, #tpu.memory_space<semaphore_mem>>)
      %dma_wait3A_100 = arith.constant 0 : i32
      %dma_wait3A_101 = tpu.memref_slice %arg4[%add3A_95, %dma_wait3A_100] : memref<819200x128xf32, #tpu.memory_space<hbm>> -> memref<256x128xf32, #tpu.memory_space<hbm>>
      %dma_wait3A_102 = arith.constant 0 : i32
      %dma_wait3A_103 = tpu.memref_slice %arg4[%add3A_95, %dma_wait3A_102] : memref<819200x128xf32, #tpu.memory_space<hbm>> -> memref<256x128xf32, #tpu.memory_space<hbm>>
      tpu.wait_dma2 semaphore(%run_scoped3A : memref<!tpu.dma_semaphore, #tpu.memory_space<semaphore_mem>>) src(%arg8 : memref<256x128xf32, #tpu.memory_space<vmem>>) dst(%dma_wait3A_103 : memref<256x128xf32, #tpu.memory_space<hbm>>)
      tpu.yield
    }) : () -> ()
    return
  }
}

module attributes {stable_mosaic.version = 14 : i64} {
  func.func @_fuse_body(%arg0: i32, %arg1: memref<10000x102xf32, #tpu.memory_space<vmem>>, %arg2: memref<10000x26xf32, #tpu.memory_space<vmem>>, %arg3: memref<1x128xf32, #tpu.memory_space<vmem>>, %arg4: memref<10000x128xf32, #tpu.memory_space<vmem>>) attributes {dimension_semantics = [#tpu.dimension_semantics<arbitrary>], iteration_bounds = array<i64: 10>, scalar_prefetch = 0 : i64, scratch_operands = 0 : i64, tpu.core_type = #tpu.core_type<tc>, window_params = [{transform_indices = @transform_0, window_bounds = array<i64: 10000, 102>}, {transform_indices = @transform_1, window_bounds = array<i64: 10000, 26>}, {pipeline_mode = #tpu.pipeline_mode<synchronous>, transform_indices = @transform_2, window_bounds = array<i64: 1, 128>}, {transform_indices = @transform_3, window_bounds = array<i64: 10000, 128>}]} {
    %get3A = arith.constant 0 : index
    %get3A_0 = arith.constant 0 : index
    %get3A_1 = vector.load %arg1[%get3A, %get3A_0] : memref<10000x102xf32, #tpu.memory_space<vmem>>, vector<10000x102xf32>
    %get3A_2 = arith.constant 0 : index
    %get3A_3 = arith.constant 0 : index
    %get3A_4 = vector.load %arg2[%get3A_2, %get3A_3] : memref<10000x26xf32, #tpu.memory_space<vmem>>, vector<10000x26xf32>
    %concatenate3A = tpu.concatenate %get3A_1, %get3A_4 in 1 : vector<10000x102xf32>, vector<10000x26xf32> -> vector<10000x128xf32>
    %get3A_5 = arith.constant 0 : index
    %get3A_6 = arith.constant 0 : index
    %get3A_7 = vector.load %arg3[%get3A_5, %get3A_6] : memref<1x128xf32, #tpu.memory_space<vmem>>, vector<1x128xf32>
    %add3A = vector.broadcast %get3A_7 : vector<1x128xf32> to vector<10000x128xf32>
    %add3A_8 = arith.addf %concatenate3A, %add3A : vector<10000x128xf32>
    %swap3A = arith.constant 0 : index
    %swap3A_9 = arith.constant 0 : index
    %swap3A_10 = vector.load %arg4[%swap3A, %swap3A_9] : memref<10000x128xf32, #tpu.memory_space<vmem>>, vector<10000x128xf32>
    tpu.vector_store %arg4[%swap3A, %swap3A_9], %add3A_8 {strides = array<i32>} : memref<10000x128xf32, #tpu.memory_space<vmem>>, vector<10000x128xf32>,
    return
  }
  func.func @transform_0(%arg0: i32) -> (i32, i32) {
    %c0_i32 = arith.constant 0 : i32
    %c0_i32_0 = arith.constant 0 : i32
    return %arg0, %c0_i32 : i32, i32
  }
  func.func @transform_1(%arg0: i32) -> (i32, i32) {
    %c0_i32 = arith.constant 0 : i32
    %c0_i32_0 = arith.constant 0 : i32
    return %arg0, %c0_i32 : i32, i32
  }
  func.func @transform_2(%arg0: i32) -> (i32, i32) {
    %c0_i32 = arith.constant 0 : i32
    %c0_i32_0 = arith.constant 0 : i32
    %c0_i32_1 = arith.constant 0 : i32
    return %c0_i32, %c0_i32_0 : i32, i32
  }
  func.func @transform_3(%arg0: i32) -> (i32, i32) {
    %c0_i32 = arith.constant 0 : i32
    %c0_i32_0 = arith.constant 0 : i32
    return %arg0, %c0_i32 : i32, i32
  }
}

</mosaic_0001>

<sc_bundles>
// kernel: kernel.4.cloned.1.call-start
scs
__scs_entry_jumppad:
0x0: {  	(pc) =	sbr.rel $0x88, $3  }
0x1: {  	(tag) =	ssettag $0x0;
	lr =	simm.s32 $0x1  }
0x2: {  	[smem:$0x3F9C] =	sst lr;
	_ =	strace $0xD0000000  }
0x3: {  	_ = 	snop  }
0x4: {  	_ = 	snop  }
0x5: {  	_ = 	snop  }
0x6: {  	_ = 	snop  }
0x7: {  	_ = 	snop  }
__scs_overlays_trampoline_lowered:
0x8: {  	[smem:$0x3FAB] =	sst s0  }
0x9: {  	[smem:$0x3FAC] =	sst s1  }
0xa: {  	[smem:$0x3FAD] =	sst s2  }
0xb: {  	[smem:$0x3FAE] =	sst s3  }
0xc: {  	[smem:$0x3FAF] =	sst s4  }
0xd: {  	[smem:$0x3FB0] =	sst s5  }
0xe: {  	[smem:$0x3FB1] =	sst s6  }
0xf: {  	[smem:$0x3FB2] =	sst s7  }
0x10: {  	[smem:$0x3FB3] =	sst s8  }
0x11: {  	[smem:$0x3FB4] =	sst s9;
	s0 =	simm.s32 @!p0 $0x0  }
0x12: {  	s1 =	sld [smem:$0x3F9A];
	s0 =	simm.s32 @p0 $0x1  }
0x13: {  	[smem:$0x3FB5] =	sst s0;
	s0 =	simm.s32 @!p1 $0x0  }
0x14: {  	s2 =	sld [smem:$0x3F99];
	s0 =	simm.s32 @p1 $0x1  }
0x15: {  	[smem:$0x3FB6] =	sst s0;
	s0 =	simm.s32 @!p2 $0x0  }
0x16: {  	s3 =	sld [smem:$0x3FDB];
	s0 =	simm.s32 @p2 $0x1  }
0x17: {  	s4 =	simm.s32 $0x1BF5;
	[smem:$0x3FB8] =	sst s0  }
0x18: {  	s0 =	sld [smem:$0x3F9B];
	_ =	swait.ge [sflag:s4], $0x0  }
0x19: {  	s7 =	sld [smem:$0x3F9C]  }
0x1a: {  	s8 =	sadd.s32 $0xFFFFE003, lr  }
0x1b: {  	s9 =	sadd.s32 $0xFFFFFEF7, lr;
	s5 =	simm.s32 $0xFFFFFFFF;
	p2 =	slt.u32 s8, $0xFFFFF086  }
0x1c: {  	p1 =	slt.u32 s9, $0xF7A;
	s5 =	simm.s32 @!p2 $0x0  }
0x1d: {  	s5 =	simm.s32 @p1 $0x1;
	p0 =	seq.s32 s7, s2  }
0x1e: {  	s7 =	smul.u32 @!p0 $0xF7A, s2;
	p2 =	seq.s32 @!p0 s5, $0x0  }
0x1f: {  	s9 =	smul.u32 $0xF7A, s1;
	s8 =	simm.s32 @!p0 $0x1BF5;
	p2 =	por !p2, p0  }
0x20: {  	[sflag:s8] =	ssyncset.s32 @!p0 $0xFFFFF086;
	s6 =	sadd.s32 @!p0 s3, s7;
	s7 =	simm.s32 @!p0 $0x108  }
0x21: {  	s3 =	sadd.s32 s3, s9;
	s6 =	sadd.s32 @!p0 $0x88, s6;
	s7 =	simm.s32 @p2 $0x1082  }
0x22: {  	[simem:s7], [sflag:s8] =	dma.local @!p0 [hbm:s6], $0xF7A  }
0x23: {  	s9 =	sor.u32 $0xD0000000, s2;
	s6 =	simm.s32 $0x108;
	_ =	swait.ge @!p0 [sflag:s8], $0x0  }
0x24: {  	s3 =	sadd.s32 $0x88, s3;
	s6 =	simm.s32 @!p1 $0x1082;
	[sflag:s4] =	ssyncset.s32 $0xFFFFF086  }
0x25: {  	[simem:s6], [sflag:s4] =	dma.local [hbm:s3], $0xF7A  }
0x26: {  	[smem:$0x3F9C] =	sst s1;
	(tag) =	ssettag s2;
	_ =	strace s9  }
0x27: {  	s1 =	sld [smem:$0x3FAC]  }
0x28: {  	s2 =	sld [smem:$0x3FAD]  }
0x29: {  	s4 =	sld [smem:$0x3FAF]  }
0x2a: {  	p0 =	seq.s32 s5, $0x0;
	s5 =	sld [smem:$0x3FB0]  }
0x2b: {  	s6 =	sld [smem:$0x3FB1]  }
0x2c: {  	s7 =	sld [smem:$0x3FB2]  }
0x2d: {  	s3 =	simm.s32 $0x108;
	s8 =	sld [smem:$0x3FB3]  }
0x2e: {  	s3 =	simm.s32 @!p0 $0x1082;
	s9 =	sld [smem:$0x3FB4]  }
0x2f: {  	lr =	sadd.s32 s0, s3;
	s0 =	sld [smem:$0x3FAB]  }
0x30: {  	s3 =	sld [smem:$0x3FAE]  }
0x31: {  	[smem:$0x3FB7] =	sst s10  }
0x32: {  	s10 =	sld [smem:$0x3FB5];
	_ =	sdelay $0x3  }
0x33: {  	p0 =	seq.s32 s10, $0x1;
	s10 =	sld [smem:$0x3FB7];
	_ =	sdelay $0x3  }
0x34: {  	[smem:$0x3FB7] =	sst s10  }
0x35: {  	s10 =	sld [smem:$0x3FB6];
	_ =	sdelay $0x3  }
0x36: {  	p1 =	seq.s32 s10, $0x1;
	s10 =	sld [smem:$0x3FB7];
	_ =	sdelay $0x3  }
0x37: {  	[smem:$0x3FB7] =	sst s10  }
0x38: {  	s10 =	sld [smem:$0x3FB8]  }
0x39: {  	_ = 	snop;
	(pc) =	sbr.ind lr, $3  }
0x3a: {  	_ = 	snop  }
0x3b: {  	_ = 	snop  }
0x3c: {  	p2 =	seq.s32 s10, $0x1;
	s10 =	sld [smem:$0x3FB7]  }
0x3d: {  	_ =	shalt  }
0x3e: {  	_ =	shalt  }
0x3f: {  	_ =	shalt  }
0x40: {  	_ =	shalt  }
0x41: {  	_ =	shalt  }
0x42: {  	_ =	shalt  }
0x43: {  	_ =	shalt  }
0x44: {  	_ =	shalt  }
0x45: {  	_ =	shalt  }
0x46: {  	_ =	shalt  }
0x47: {  	_ =	shalt  }
0x48: {  	_ =	shalt  }
0x49: {  	_ =	shalt  }
0x4a: {  	_ =	shalt  }
0x4b: {  	_ =	shalt  }
0x4c: {  	_ =	shalt  }
0x4d: {  	_ =	shalt  }
0x4e: {  	_ =	shalt  }
0x4f: {  	_ =	shalt  }
0x50: {  	_ =	shalt  }
0x51: {  	_ =	shalt  }
0x52: {  	_ =	shalt  }
0x53: {  	_ =	shalt  }
0x54: {  	_ =	shalt  }
0x55: {  	_ =	shalt  }
0x56: {  	_ =	shalt  }
0x57: {  	_ =	shalt  }
0x58: {  	_ =	shalt  }
0x59: {  	_ =	shalt  }
0x5a: {  	_ =	shalt  }
0x5b: {  	_ =	shalt  }
0x5c: {  	_ =	shalt  }
0x5d: {  	_ =	shalt  }
0x5e: {  	_ =	shalt  }
0x5f: {  	_ =	shalt  }
0x60: {  	_ =	shalt  }
0x61: {  	_ =	shalt  }
0x62: {  	_ =	shalt  }
0x63: {  	_ =	shalt  }
0x64: {  	_ =	shalt  }
0x65: {  	_ =	shalt  }
0x66: {  	_ =	shalt  }
0x67: {  	_ =	shalt  }
0x68: {  	_ =	shalt  }
0x69: {  	_ =	shalt  }
0x6a: {  	_ =	shalt  }
0x6b: {  	_ =	shalt  }
0x6c: {  	_ =	shalt  }
0x6d: {  	_ =	shalt  }
0x6e: {  	_ =	shalt  }
0x6f: {  	_ =	shalt  }
0x70: {  	_ =	shalt  }
0x71: {  	_ =	shalt  }
0x72: {  	_ =	shalt  }
0x73: {  	_ =	shalt  }
0x74: {  	_ =	shalt  }
0x75: {  	_ =	shalt  }
0x76: {  	_ =	shalt  }
0x77: {  	_ =	shalt  }
0x78: {  	_ =	shalt  }
0x79: {  	_ =	shalt  }
0x7a: {  	_ =	shalt  }
0x7b: {  	_ =	shalt  }
0x7c: {  	_ =	shalt  }
0x7d: {  	_ =	shalt  }
0x7e: {  	_ =	shalt  }
0x7f: {  	_ =	shalt  }
0x80: {  	_ =	shalt  }
0x81: {  	_ =	shalt  }
0x82: {  	_ =	shalt  }
0x83: {  	_ =	shalt  }
0x84: {  	_ =	shalt  }
0x85: {  	_ =	shalt  }
0x86: {  	_ =	shalt  }
0x87: {  	_ =	shalt  }
.Lfunc_end0:
.L_simem_size_0:
called_computation_lowered:
.L_overlay_start_0:
0x88: {  	s2 =	sld [smem:$0x3FD9]  }
0x89: {  	s3 =	sld [smem:$0x3FFE];
	_ =	sdelay $0x1  }
0x8a: {  	s1 =	srdreg.scid  }
0x8b: {  	s0 =	sand.u32 $0x1, s1  }
0x8c: {  	s17 =	sshll.u32 s0, $0xA;
	s2 =	sadd.s32 s3, s2  }
0x8d: {  	s2 =	sadd.s32 s2, s17  }
0x8e: {  	[smem:$0x3FC3] =	sst s2  }
0x8f: {  	_ = 	snop  }
0x90: {  	s2 =	sld [smem:$0x3FD0];
	(tm) =	ssettm $0x1  }
0x91: {  	s18 =	sld [smem:$0x3FFB];
	_ =	sdelay $0x3  }
0x92: {  	_ =	strace s18  }
0x93: {  	s3 =	sld [smem:$0x3FFC];
	_ =	sdelay $0x3  }
0x94: {  	_ =	strace s3  }
0x95: {  	s3 =	sld [smem:$0x3FFD];
	_ =	sdelay $0x3  }
0x96: {  	_ =	strace s3  }
0x97: {  	_ =	strace $0x8FFFFFFF  }
0x98: {  	s19 =	sld [smem:$0x3FDB];
	_ =	sdelay $0x1  }
0x99: {  	s4 =	simm.s32 $_scs_section_size  }
0x9a: {  	s5 =	simm.s32 $_size__tile_overlayer_lowered;
	s6 =	simm.s32 $_tile_overlayer_lowered  }
0x9b: {  	s22 =	simm.s32 $0x1BFF;
	s21 =	sshll.u32 s6, $0x1;
	s3 =	sadd.s32 s4, s19  }
0x9c: {  	s7 =	simm.s32 $0x0;
	s20 =	sshll.u32 s5, $0x1;
	s5 =	sadd.s32 s21, s3  }
0x9d: {  	[timem:s7], [sflag:s22] =	dma.local [hbm:s5], s20  }
0x9e: {  	_ =	swait.ge [sflag:s22], s20  }
0x9f: {  	s4 =	ssub.s32 $0x0, s20;
	[sflag:s22] =	ssyncset.done $0x0  }
0xa0: {  	[sflag:s22] =	ssyncadd.s32 s4;
	_ =	sdelay $0x1  }
0xa1: {  	s23 =	simm.s32 $0x1B8B  }
0xa2: {  	_ =	swait.ge [sflag:s23], $0x1  }
0xa3: {  	[sflag:s23] =	ssyncset.done $0x0  }
0xa4: {  	s25 =	simm.s32 $0x1B8E;
	s24 =	sld [smem:$0x3FFE];
	[sflag:s23] =	ssyncadd.s32 $0xFFFFFFFF  }
0xa5: {  	s26 =	simm.s32 $execute0_lowered;
	[smem:$0x3FD2] =	sst s25  }
0xa6: {  	s5 =	sshll.u32 s26, $0x1;
	_ =	strace $0x80000046;
	[dreg:$0x1] =	wrdreg $0xFFFFFFFF  }
0xa7: {  	s28 =	simm.s32 $_size_execute0_lowered;
	s3 =	sadd.s32 s3, s5;
	[dreg:$0x0] =	wrdreg $0x0  }
0xa8: {  	s5 =	sshll.u32 s28, $0x1;
	[dreg:$0x2] =	wrdreg s3  }
0xa9: {  	[dreg:$0x3] =	wrdreg s5  }
0xaa: {  	[dreg:$0x4] =	wrdreg $0xC0  }
0xab: {  	_ =	task [dreg:s7], $0x5FFFF  }
0xac: {  	[dreg:$0x1] =	wrdreg $0xFFFFFFFF  }
0xad: {  	[dreg:$0x0] =	wrdreg $0x60  }
0xae: {  	[dreg:$0x2] =	wrdreg s24  }
0xaf: {  	[dreg:$0x3] =	wrdreg s2  }
0xb0: {  	[dreg:$0x4] =	wrdreg $0x9  }
0xb1: {  	_ =	task.clear_ibuf [dreg:s7], $0x5FFFF;
	_ =	strace $0x90000046  }
0xb2: {  	s29 =	simm.s32 $0x9;
	_ =	strace $0x80000048  }
0xb3: {  	_ =	swait.ge [sflag:s29], $0x1  }
0xb4: {  	[sflag:s29] =	ssyncadd.s32 $0xFFFFFFFF  }
0xb5: {  	_ =	strace $0x90000048  }
0xb6: {  	_ =	sfence  }
0xb7: {  	s30 =	sld [smem:$0x0];
	_ =	sdelay $0x2  }
0xb8: {  	s31 =	sshll.u32 s1, $0xD;
	s1 =	sshrl.u32 s1, $0x2  }
0xb9: {  	s3 =	sand.u32 $0x4000, s31;
	s1 =	sadd.s32 s1, s30  }
0xba: {  	s0 =	sor.u32 s3, s0;
	s1 =	sshll.u32 s1, $0x11  }
0xbb: {  	s0 =	sor.u32 s1, s0  }
0xbc: {  	s0 =	sadd.s32 $0x8F2B, s0  }
0xbd: {  	[sflag:s0] =	ssyncadd.remote.s32 $0x1  }
0xbe: {  	_ =	sfence.sel $0xFFFF  }
0xbf: {  	[dreg:$0x0] =	wrdreg $0xFFFFFFFF;
	(pc) =	sbr.abs _section_cstart, $3  }
0xc0: {  	[dreg:$0x1] =	wrdreg $0xFFFFFFFF  }
0xc1: {  	_ =	task.clear_ibuf [dreg:s7], $0x2FFFF;
	_ =	strace $0x9FFFFFFF  }
0xc2: {  	(tm) =	ssettm $0x7FFFFFFF  }
0xc3: {  	_ =	shalt  }
tec
execute0_lowered:
.L_overlay_start_1:
0x0: {  	(tag) =	ssettag $0x1  }
0x1: {  	s4 =	rddreg [dreg:$0x0]  }
0x2: {  	s12 =	rddreg [dreg:$0x1]  }
0x3: {  	s0 =	rddreg [dreg:$0x2];
	s1 =	stileid.u32  }
0x4: {  	s3 =	srdreg.scid;
	s13 =	smul.u32 $0x640000, s1  }
0x5: {  	s2 =	simm.s32 $0x0;
	s18 =	simm.s32 $0x100;
	s14 =	smul.u32 $0xC800, s1  }
0x6: {  	s19 =	simm.s32 $0x8200;
	s10 =	sand.u32 $0x1, s3;
	s29 =	smul.u32 $0x1900, s1  }
0x7: {  	s20 =	simm.s32 $0x180;
	s21 =	simm.s32 $0xC200;
	s26 =	smul.u32 $0x320000, s10  }
0x8: {  	s22 =	simm.s32 $0x2;
	s23 =	sshll.u32 s1, $0x1;
	s15 =	smul.u32 $0x6400, s10  }
0x9: {  	[smem:$0x7FF] =	sst s2;
	s5 =	sor.u32 s10, s23;
	s17 =	smul.u32 $0xC80, s10  }
0xa: {  	s3 =	sadd.s32 $0x1800, s4;
	s4 =	sadd.s32 $0x1A1200, s4;
	s6 =	smul.u32 $0xC80, s5  }
0xb: {  	_ =	strace $0x80000047;
	s7 =	ssub.s32 $0x2, s10;
	s8 =	smul.u32 $0x6400, s5  }
0xc: {  	s23 =	simm.s32 $0x0;
	s9 =	sshrl.u32 s7, $0x1;
	s11 =	smul.u32 $0x320000, s5  }
0xd: {  	s9 =	ssub.s32 s7, s9;
	s14 =	sadd.s32 s15, s14;
	s15 =	simm.s32 $0x200  }
0xe: {  	s5 =	sadd.s32 s3, s6;
	s24 =	sshrl.u32 s8, $0x3;
	s25 =	sshrl.u32 s11, $0x3  }
0xf: {  	s11 =	sadd.s32 s26, s13;
	s9 =	smax.u32 s9, $0x1;
	[dreg:$0x3] =	wrdreg s14  }
0x10: {  	s13 =	simm.s32 $0x3;
	s14 =	simm.s32 $0x80;
	s6 =	sadd.s32 s3, s24  }
0x11: {  	s28 =	sadd.s32 s12, s25;
	s16 =	sshrl.u32 s11, $0x3;
	s30 =	sor.u32 $0x8000, s11  }
0x12: {  	s11 =	sadd.s32 s17, s29;
	s17 =	simm.s32 $0x1;
	s6 =	sadd.s32 $0xC60, s6  }
0x13: {  	s7 =	sadd.s32 $0x62000, s28;
	s8 =	sadd.s32 $0x63000, s28;
	s31 =	sshrl.u32 s30, $0x3  }
0x14: {  	s10 =	sadd.s32 s16, s12;
	s16 =	simm.s32 $0x4200;
	s12 =	sadd.s32 s31, s12  }
.LBB2_1:
0x15: {  	[tilespmem:s2], [sflag:$0x3] =	stream.linear.gather [hbm4b:s5+s2], $0x100, $0x38;
	[tilespmem:$0x10200] =	vst v63  }
0x16: {  	_ =	swait.ge [sflag:s13], $0x100  }
0x17: {  	[sflag:s13] =	ssyncset.done $0x0  }
0x18: {  	[sflag:s13] =	ssyncadd.s32 $0xFFFFFF00  }
0x19: {  	[tilespmem:s15], [sflag:$0x1] =	stream.indirect.gather [hbm4b:s4+s14], $0x80, s2, s14, $0xb8;
	[tilespmem:$0x10200] =	vst v63  }
0x1a: {  	_ = 	snop  }
0x1b: {  	[tilespmem:s16], [sflag:$0x1] =	stream.indirect.gather [hbm4b:s4+s14], $0x80, s14, s14, $0xb8;
	[tilespmem:$0x10200] =	vst v63  }
0x1c: {  	_ =	swait.ge [sflag:s17], $0x4000  }
0x1d: {  	[sflag:s17] =	ssyncset.done $0x0  }
0x1e: {  	[sflag:s17] =	ssyncadd.s32 $0xFFFFC000  }
0x1f: {  	_ =	swait.ge [sflag:s17], $0x4000  }
0x20: {  	s24 =	rddreg [dreg:$0x3]  }
0x21: {  	s24 =	sadd.s32 $0x100, s24  }
0x22: {  	s24 =	sadd.s32 $0xFFFFFF00, s24  }
0x23: {  	s25 =	sand.u32 $0x300, s18;
	s24 =	sand.u32 $0x1FFC00, s24  }
0x24: {  	s24 =	sor.u32 s24, s25  }
0x25: {  	[sflag:s17] =	ssyncset.done $0x0;
	s24 =	sshrl.u32 s24, $0x3  }
0x26: {  	[sflag:s17] =	ssyncadd.s32 $0xFFFFC000;
	s24 =	sadd.s32 s3, s24  }
0x27: {  	[tilespmem:s18], [sflag:$0x3] =	stream.linear.gather [hbm4b:s24+s2], $0x100, $0x38;
	[tilespmem:$0x10200] =	vst v63  }
0x28: {  	_ =	swait.ge [sflag:s13], $0x100  }
0x29: {  	[sflag:s13] =	ssyncset.done $0x0  }
0x2a: {  	[sflag:s13] =	ssyncadd.s32 $0xFFFFFF00  }
0x2b: {  	[tilespmem:s19], [sflag:$0x2] =	stream.indirect.gather [hbm4b:s4+s14], $0x80, s18, s14, $0xb8;
	[tilespmem:$0x10200] =	vst v63  }
0x2c: {  	_ = 	snop  }
0x2d: {  	[tilespmem:s21], [sflag:$0x2] =	stream.indirect.gather [hbm4b:s4+s14], $0x80, s20, s14, $0xb8;
	[tilespmem:$0x10200] =	vst v63  }
0x2e: {  	_ = 	snop  }
0x2f: {  	[hbm4b:s10+s2] =	stream.linear.scatter [tilespmem:s15], [sflag:$0x3], $0x8000, $0x38;
	[tilespmem:$0x10200] =	vst v63  }
0x30: {  	_ =	swait.ge [sflag:s13], $0x8000  }
0x31: {  	[sflag:s13] =	ssyncset.done $0x0  }
0x32: {  	[sflag:s13] =	ssyncadd.s32 $0xFFFF8000  }
0x33: {  	_ =	swait.ge [sflag:s22], $0x4000  }
0x34: {  	[sflag:s22] =	ssyncset.done $0x0  }
0x35: {  	s24 =	simm.s32 $0x40;
	[sflag:s22] =	ssyncadd.s32 $0xFFFFC000  }
0x36: {  	s31 =	sadd.s32 $0x40, s11;
	s26 =	sand.u32 $0x40, s24;
	_ =	swait.ge [sflag:s22], $0x4000  }
0x37: {  	s25 =	sand.u32 $0xFFFFF80, s31;
	s26 =	sadd.s32 s3, s26;
	[sflag:s22] =	ssyncset.done $0x0  }
0x38: {  	s25 =	sadd.s32 s25, s26;
	[sflag:s22] =	ssyncadd.s32 $0xFFFFC000  }
0x39: {  	[tilespmem:s2], [sflag:$0x3] =	stream.linear.gather [hbm4b:s25+s2], $0x100, $0x38;
	[tilespmem:$0x10200] =	vst v63  }
0x3a: {  	_ =	swait.ge [sflag:s13], $0x100  }
0x3b: {  	[sflag:s13] =	ssyncset.done $0x0  }
0x3c: {  	[sflag:s13] =	ssyncadd.s32 $0xFFFFFF00  }
0x3d: {  	[tilespmem:s15], [sflag:$0x1] =	stream.indirect.gather [hbm4b:s4+s14], $0x80, s2, s14, $0xb8;
	[tilespmem:$0x10200] =	vst v63  }
0x3e: {  	_ = 	snop  }
0x3f: {  	[tilespmem:s16], [sflag:$0x1] =	stream.indirect.gather [hbm4b:s4+s14], $0x80, s14, s14, $0xb8;
	[tilespmem:$0x10200] =	vst v63  }
0x40: {  	_ = 	snop  }
0x41: {  	[hbm4b:s12+s2] =	stream.linear.scatter [tilespmem:s19], [sflag:$0x3], $0x8000, $0x38;
	[tilespmem:$0x10200] =	vst v63  }
0x42: {  	s28 =	smov.u32 s10;
	_ =	swait.ge [sflag:s13], $0x8000  }
0x43: {  	s26 =	sadd.s32 $0x2000, s12;
	s25 =	simm.s32 $0x300;
	[sflag:s13] =	ssyncset.done $0x0  }
.LBB2_2:
0x44: {  	[sflag:s13] =	ssyncadd.s32 $0xFFFF8000  }
0x45: {  	_ =	swait.ge [sflag:s17], $0x4000  }
0x46: {  	[sflag:s17] =	ssyncset.done $0x0  }
0x47: {  	[sflag:s17] =	ssyncadd.s32 $0xFFFFC000  }
0x48: {  	_ =	swait.ge [sflag:s17], $0x4000  }
0x49: {  	s29 =	smov.u32 s25;
	s30 =	rddreg [dreg:$0x3]  }
0x4a: {  	s30 =	sadd.s32 s29, s30  }
0x4b: {  	s30 =	sadd.s32 $0xFFFFFF00, s30  }
0x4c: {  	s29 =	sand.u32 $0x300, s29;
	s30 =	sand.u32 $0x1FFC00, s30  }
0x4d: {  	s29 =	sor.u32 s30, s29  }
0x4e: {  	[sflag:s17] =	ssyncset.done $0x0;
	s29 =	sshrl.u32 s29, $0x3  }
0x4f: {  	[sflag:s17] =	ssyncadd.s32 $0xFFFFC000;
	s29 =	sadd.s32 s3, s29  }
0x50: {  	[tilespmem:s18], [sflag:$0x3] =	stream.linear.gather [hbm4b:s29+s2], $0x100, $0x38;
	[tilespmem:$0x10200] =	vst v63  }
0x51: {  	_ =	swait.ge [sflag:s13], $0x100  }
0x52: {  	[sflag:s13] =	ssyncset.done $0x0  }
0x53: {  	[sflag:s13] =	ssyncadd.s32 $0xFFFFFF00  }
0x54: {  	[tilespmem:s19], [sflag:$0x2] =	stream.indirect.gather [hbm4b:s4+s14], $0x80, s18, s14, $0xb8;
	[tilespmem:$0x10200] =	vst v63  }
0x55: {  	_ = 	snop  }
0x56: {  	[tilespmem:s21], [sflag:$0x2] =	stream.indirect.gather [hbm4b:s4+s14], $0x80, s20, s14, $0xb8;
	[tilespmem:$0x10200] =	vst v63  }
0x57: {  	s28 =	sadd.s32 $0x2000, s28  }
0x58: {  	[hbm4b:s28+s2] =	stream.linear.scatter [tilespmem:s15], [sflag:$0x3], $0x8000, $0x38;
	[tilespmem:$0x10200] =	vst v63  }
0x59: {  	_ =	swait.ge [sflag:s13], $0x8000  }
0x5a: {  	[sflag:s13] =	ssyncset.done $0x0  }
0x5b: {  	[sflag:s13] =	ssyncadd.s32 $0xFFFF8000  }
0x5c: {  	_ =	swait.ge [sflag:s22], $0x4000  }
0x5d: {  	[sflag:s22] =	ssyncset.done $0x0  }
0x5e: {  	s24 =	sadd.s32 $0x40, s24;
	[sflag:s22] =	ssyncadd.s32 $0xFFFFC000  }
0x5f: {  	s31 =	sand.u32 $0x40, s24;
	s29 =	sadd.s32 s24, s11;
	_ =	swait.ge [sflag:s22], $0x4000  }
0x60: {  	s30 =	sadd.s32 s3, s31;
	s29 =	sand.u32 $0xFFFFF80, s29;
	[sflag:s22] =	ssyncset.done $0x0  }
0x61: {  	s29 =	sadd.s32 s29, s30;
	[sflag:s22] =	ssyncadd.s32 $0xFFFFC000  }
0x62: {  	[tilespmem:s2], [sflag:$0x3] =	stream.linear.gather [hbm4b:s29+s2], $0x100, $0x38;
	[tilespmem:$0x10200] =	vst v63  }
0x63: {  	_ =	swait.ge [sflag:s13], $0x100  }
0x64: {  	[sflag:s13] =	ssyncset.done $0x0  }
0x65: {  	[sflag:s13] =	ssyncadd.s32 $0xFFFFFF00  }
0x66: {  	[tilespmem:s15], [sflag:$0x1] =	stream.indirect.gather [hbm4b:s4+s14], $0x80, s2, s14, $0xb8;
	[tilespmem:$0x10200] =	vst v63  }
0x67: {  	p0 =	sne.s32 s25, $0x6100  }
0x68: {  	[tilespmem:s16], [sflag:$0x1] =	stream.indirect.gather [hbm4b:s4+s14], $0x80, s14, s14, $0xb8;
	[tilespmem:$0x10200] =	vst v63  }
.Ltmp0:
0x69: {  	_ = 	snop;
	(pc) =	sbr.rel @p0 .LBB2_2-.Ltmp0, $4  }
0x6a: {  	_ = 	snop  }
0x6b: {  	[hbm4b:s26+s2] =	stream.linear.scatter [tilespmem:s19], [sflag:$0x3], $0x8000, $0x38;
	[tilespmem:$0x10200] =	vst v63  }
0x6c: {  	_ =	swait.ge [sflag:s13], $0x8000  }
0x6d: {  	s25 =	sadd.s32 $0x200, s25;
	s26 =	sadd.s32 $0x2000, s26;
	[sflag:s13] =	ssyncset.done $0x0  }
0x6e: {  	[sflag:s13] =	ssyncadd.s32 $0xFFFF8000  }
0x6f: {  	_ =	swait.ge [sflag:s17], $0x4000  }
0x70: {  	[sflag:s17] =	ssyncset.done $0x0  }
0x71: {  	[sflag:s17] =	ssyncadd.s32 $0xFFFFC000  }
0x72: {  	_ =	swait.ge [sflag:s17], $0x4000  }
0x73: {  	[sflag:s17] =	ssyncset.done $0x0  }
0x74: {  	[sflag:s17] =	ssyncadd.s32 $0xFFFFC000  }
0x75: {  	[tilespmem:s18], [sflag:$0x3] =	stream.linear.gather [hbm4b:s6+s2], $0x100, $0x38;
	[tilespmem:$0x10200] =	vst v63  }
0x76: {  	_ =	swait.ge [sflag:s13], $0x100  }
0x77: {  	[sflag:s13] =	ssyncset.done $0x0  }
0x78: {  	[sflag:s13] =	ssyncadd.s32 $0xFFFFFF00  }
0x79: {  	[tilespmem:s19], [sflag:$0x2] =	stream.indirect.gather [hbm4b:s4+s14], $0x80, s18, s14, $0xb8;
	[tilespmem:$0x10200] =	vst v63  }
0x7a: {  	_ = 	snop  }
0x7b: {  	[tilespmem:s21], [sflag:$0x2] =	stream.indirect.gather [hbm4b:s4+s14], $0x80, s20, s14, $0xb8;
	[tilespmem:$0x10200] =	vst v63  }
0x7c: {  	_ = 	snop  }
0x7d: {  	[hbm4b:s7+s2] =	stream.linear.scatter [tilespmem:s15], [sflag:$0x3], $0x8000, $0x38;
	[tilespmem:$0x10200] =	vst v63  }
0x7e: {  	_ =	swait.ge [sflag:s13], $0x8000  }
0x7f: {  	[sflag:s13] =	ssyncset.done $0x0  }
0x80: {  	[sflag:s13] =	ssyncadd.s32 $0xFFFF8000  }
0x81: {  	_ =	swait.ge [sflag:s22], $0x4000  }
0x82: {  	[sflag:s22] =	ssyncset.done $0x0  }
0x83: {  	[sflag:s22] =	ssyncadd.s32 $0xFFFFC000  }
0x84: {  	s23 =	sadd.s32 $0x1, s23;
	_ =	swait.ge [sflag:s22], $0x4000  }
0x85: {  	p0 =	sne.s32 s23, s9;
	[sflag:s22] =	ssyncset.done $0x0  }
.Ltmp1:
0x86: {  	[sflag:s22] =	ssyncadd.s32 $0xFFFFC000;
	(pc) =	sbr.rel @p0 .LBB2_1-.Ltmp1, $4  }
0x87: {  	[hbm4b:s8+s2] =	stream.linear.scatter [tilespmem:s19], [sflag:$0x3], $0x8000, $0x38;
	[tilespmem:$0x10200] =	vst v63  }
0x88: {  	_ =	swait.ge [sflag:s13], $0x8000  }
0x89: {  	[sflag:s13] =	ssyncset.done $0x0  }
0x8a: {  	[sflag:s13] =	ssyncadd.s32 $0xFFFF8000  }
0x8b: {  	_ =	sfence.sel $0x180000  }
0x8c: {  	[bflag:$0x0] =	sbarrier.arrive $0xFFFF  }
0x8d: {  	p0 =	sne.s32 s1, $0x0;
	_ =	strace $0x90000047  }
0x8e: {  	s0 =	sadd.s32 @!p0 $0x100000, s0;
	[bflag:$0x2] =	sbarrier.arrive $0xFFFF  }
0x8f: {  	[sflag:s0] =	ssyncadd.tile.s32 @!p0 $0x1;
	_ =	shalt  }
.Lfunc_end2:
_tile_overlayer_lowered:
.L_overlay_start_2:
0x90: {  	(tag) =	ssettag $0x2  }
0x91: {  	s0 =	rddreg [dreg:$0x0];
	s2 =	stileid.u32  }
0x92: {  	s1 =	rddreg [dreg:$0x1];
	p0 =	sne.s32 s2, $0x0  }
0x93: {  	s3 =	rddreg [dreg:$0x2];
	[bflag:$0x3] =	sbarrier.arrive $0xFFFF;
	s2 =	simm.s32 @!p0 $0x1C03  }
0x94: {  	[timem:s3], [sflag:s2] =	dma.local @!p0 [hbm:s0], s1  }
0x95: {  	s0 =	simm.s32 @!p0 $0x3  }
0x96: {  	_ =	swait.ge @!p0 [sflag:s0], s1  }
0x97: {  	s1 =	ssub.s32 @!p0 $0x0, s1;
	[sflag:s0] =	ssyncset.done @!p0 $0x0  }
0x98: {  	[sflag:s0] =	ssyncadd.s32 @!p0 s1  }
0x99: {  	[bflag:$0x3] =	sbarrier.arrive $0xFFFF  }
0x9a: {  	_ =	shalt  }

</sc_bundles>
